<compile_context>
chip_gen: v7x
topology: tpu7x:2x2x1
jax: 0.10.2.dev20260603
libtpu: 0.0.44.dev20260713+nightly
codegen_flags: <defaults>
</compile_context>

<pallas_src>
import functools

import jax
import jax.numpy as jnp
from jax import lax
from jax.experimental import pallas as pl
from jax.experimental.pallas import tpu as pltpu
from jax.experimental.pallas import tpu_sc as plsc

_K = 4
_D = 100000
_BIG = 2 ** 30



def _topk_body(l_ref, g_ref, idx_ref):
    p = l_ref[...] + g_ref[...]
    iota = lax.broadcasted_iota(jnp.int32, p.shape, 1)
    args = []
    for _ in range(_K):
        m = jnp.max(p, axis=1, keepdims=True)
        arg = jnp.min(jnp.where(p == m, iota, _D), axis=1, keepdims=True)
        args.append(arg)
        p = jnp.where(iota == arg, -jnp.inf, p)
    pad = jnp.full((8, 128 - _K), _BIG, dtype=jnp.int32)
    idx_ref[...] = jnp.concatenate(args + [pad], axis=1)



def _sort_body(idx_hbm, out_hbm, ibuf, obuf):
    s_id = lax.axis_index("s")
    for half in range(2):
        wid = s_id + 16 * half
        pltpu.sync_copy(idx_hbm.at[pl.ds(pl.multiple_of(wid * 128, 8), 128)],
                        ibuf)
        v = ibuf[pl.ds(0, 16)]
        obuf[...] = lax.sort(v)
        pltpu.sync_copy(obuf, out_hbm.at[pl.ds(pl.multiple_of(wid * 16, 8), 16)])


_sort_sc = functools.partial(
    pl.kernel,
    out_type=jax.ShapeDtypeStruct((32 * 16,), jnp.int32),
    mesh=plsc.VectorSubcoreMesh(core_axis_name="c", subcore_axis_name="s",
                                num_cores=1, num_subcores=16),
    compiler_params=pltpu.CompilerParams(needs_layout_passes=False),
    scratch_types=[
        pltpu.VMEM((128,), jnp.int32),
        pltpu.VMEM((16,), jnp.int32),
    ],
)(_sort_body)



def _onehot_body(idx_ref, out_ref):
    r = pl.program_id(0)
    s0 = idx_ref[r, 0]
    s1 = idx_ref[r, 1]
    s2 = idx_ref[r, 2]
    s3 = idx_ref[r, 3]
    riota = lax.broadcasted_iota(jnp.int32, (_K, 1), 0)
    srt = jnp.where(riota == 0, s0,
                    jnp.where(riota == 1, s1,
                              jnp.where(riota == 2, s2, s3)))
    col = lax.broadcasted_iota(jnp.int32, (_K, _D), 1)
    out_ref[0, 0] = (col == srt).astype(jnp.float32)


def kernel(inp, gn):
    n, d = inp.shape
    bs = gn.shape[0]
    r = bs * n
    gn2 = gn.reshape(r, d)

    idx_desc = pl.pallas_call(
        _topk_body,
        grid=(r // 8,),
        in_specs=[
            pl.BlockSpec((8, d), lambda b: (b // 2, 0)),
            pl.BlockSpec((8, d), lambda b: ((b % 2) * 2 + b // 2, 0)),
        ],
        out_specs=pl.BlockSpec((8, 128), lambda b: ((b % 2) * 2 + b // 2, 0)),
        out_shape=jax.ShapeDtypeStruct((r, 128), jnp.int32),
    )(inp, gn2)

    idx = _sort_sc(idx_desc.reshape(r * 128)).reshape(r, 16)

    out = pl.pallas_call(
        _onehot_body,
        grid=(r,),
        in_specs=[pl.BlockSpec(memory_space=pltpu.SMEM)],
        out_specs=pl.BlockSpec((1, 1, _K, d), lambda i: (i // n, i % n, 0, 0)),
        out_shape=jax.ShapeDtypeStruct((bs, n, _K, d), jnp.float32),
    )(idx)
    return out

# --- scband reference (transcript-rebuilt; emitter-appended) ---
"""Pipeline reference for scband-dps-topk-86638080295020 (READ-ONLY COPY).

The authoritative reference and input builder live on the scoring server;
editing this copy changes nothing except your own understanding.
"""

import jax, jax.numpy as jnp
import numpy as np

BS = 2
K_SAMPLES = 4
BATCH_PER_EPOCH = 100
N_EPOCHS = 10
TEMP_INCR = 5.0


def temperature_update(tempIncr, epoch, n_epochs):
    # The original snippet calls an external temperatureUpdate helper that is not
    # defined in the provided code. We implement a linear annealing schedule
    # starting at tempIncr; at step=0 (first call) Temp == tempIncr.
    return jnp.maximum(tempIncr * (1.0 - epoch / n_epochs), 0.01)


def setup_inputs(seed: int = 0) -> dict:
    key = jax.random.key(seed)
    k1, k2 = jax.random.split(key)
    logits = jax.random.normal(k1, (16, 100000), dtype=jnp.float32)
    # Gumbel noise materialized deterministically (tf.random.uniform in the
    # original call); shape (BS, N, D)
    u = jax.random.uniform(k2, (BS, 16, 100000), dtype=jnp.float32, minval=0.0, maxval=1.0)
    gn = -jnp.log(-jnp.log(u + 1e-20) + 1e-20)
    return {"inp": logits, "gn": gn}


def reference(inp, gn):
    logits = inp
    D = logits.shape[-1]
    # perturbed logits with Gumbel noise, shape (BS, N, D)
    perturbed = logits[None, :, :] + gn
    # inner top_k: indices of k largest perturbed logits
    _, idx = jax.lax.top_k(perturbed, K_SAMPLES)  # (BS, N, k) int32
    # outer top_k on the indices themselves -> indices sorted descending numerically
    ind_desc, _ = jax.lax.top_k(idx, K_SAMPLES)  # (BS, N, k)
    # expand and reverse along k axis -> ascending index order, shape (BS, N, k, 1)
    topk = jnp.flip(ind_desc[..., None], axis=2)
    # one_hot -> (BS, N, k, 1, D), squeeze axis=-2 -> (BS, N, k, D)
    hard = jnp.squeeze(jax.nn.one_hot(topk, D, dtype=jnp.float32), axis=-2)
    # step variable starts at 0 -> epoch 0 on first forward
    step = 0.0
    epoch = step / BATCH_PER_EPOCH
    temp = temperature_update(TEMP_INCR, epoch, N_EPOCHS)
    # tiled exp(logits), shape (BS, N, k, D) via broadcast
    prob_exp = jnp.broadcast_to(jnp.exp(logits)[None, :, None, :], hard.shape)
    # exclusive cumsum along the k axis (axis=-2)
    cum_incl = jnp.cumsum(hard, axis=-2)
    cum_mask = cum_incl - hard
    soft = jax.nn.softmax(
        (jnp.log(prob_exp * (1.0 - cum_mask + 1e-20)) + gn[:, :, None, :]) / temp,
        axis=-1,
    )
    # straight-through: hard forward, soft backward
    return jax.lax.stop_gradient(hard - soft) + soft

if __name__ == "__main__":
    import jax
    _d = setup_inputs()
    print(jax.jit(kernel)(*tuple(_d.values())))

</pallas_src>

<mosaic_0001>
#map = affine_map<(d0, d1) -> (0)>
module attributes {stable_mosaic.version = 14 : i64} {
  func.func @_sort_body(%arg0: i32, %arg1: i32, %arg2: memref<4096xi32, #tpu.memory_space<hbm>>, %arg3: memref<512xi32, #tpu.memory_space<hbm>>, %arg4: memref<128xi32, #tpu.memory_space<vmem>>, %arg5: memref<16xi32, #tpu.memory_space<vmem>>) attributes {dimension_semantics = [#tpu.dimension_semantics<core_parallel>, #tpu.dimension_semantics<subcore_parallel>], iteration_bounds = array<i64: 1, 16>, scalar_prefetch = 0 : i64, scratch_operands = 2 : i64, tpu.core_type = #tpu.core_type<sc_vector_subcore>, window_params = [{transform_indices = #map}, {transform_indices = #map}]} {
    %add3A = arith.constant 0 : i32
    %add3A_0 = arith.addi %arg1, %add3A : i32
    %mul3A = arith.constant 128 : i32
    %mul3A_1 = arith.muli %add3A_0, %mul3A : i32
    %multiple_of3A = tpu.assume_multiple %mul3A_1, 8 : i32
    "tpu.region"() ({
      %run_scoped3A = tpu.sem_alloc : memref<!tpu.dma_semaphore, #tpu.memory_space<semaphore_mem>>
      %dma_start3A = tpu.memref_slice %arg2[%multiple_of3A] : memref<4096xi32, #tpu.memory_space<hbm>> -> memref<128xi32, #tpu.memory_space<hbm>>
      %dma_start3A_26 = tpu.memref_slice %arg2[%multiple_of3A] : memref<4096xi32, #tpu.memory_space<hbm>> -> memref<128xi32, #tpu.memory_space<hbm>>
      tpu.enqueue_dma source(%dma_start3A_26 : memref<128xi32, #tpu.memory_space<hbm>>) target(%arg4 : memref<128xi32, #tpu.memory_space<vmem>>) target_semaphore(%run_scoped3A : memref<!tpu.dma_semaphore, #tpu.memory_space<semaphore_mem>>)
      %dma_wait3A = tpu.memref_slice %arg2[%multiple_of3A] : memref<4096xi32, #tpu.memory_space<hbm>> -> memref<128xi32, #tpu.memory_space<hbm>>
      %dma_wait3A_27 = tpu.memref_slice %arg2[%multiple_of3A] : memref<4096xi32, #tpu.memory_space<hbm>> -> memref<128xi32, #tpu.memory_space<hbm>>
      tpu.wait_dma2 semaphore(%run_scoped3A : memref<!tpu.dma_semaphore, #tpu.memory_space<semaphore_mem>>) src(%dma_wait3A_27 : memref<128xi32, #tpu.memory_space<hbm>>) dst(%arg4 : memref<128xi32, #tpu.memory_space<vmem>>)
      tpu.yield
    }) : () -> ()
    %get3A = arith.constant 0 : index
    %get3A_2 = tpu.vector_load %arg4[%get3A] {strides = array<i32>} : memref<128xi32, #tpu.memory_space<vmem>>, vector<16xi32>,
    %sort3A = arith.constant dense<true> : vector<16xi1>
    %sort3A_3, %sort3A_4, %sort3A_5 = tpu.sort %get3A_2, %get3A_2 masked %sort3A : (vector<16xi32>, vector<16xi32>, vector<16xi1>) -> (vector<16xi1>, vector<16xi32>, vector<16xi32>)
    %swap3A = arith.constant 0 : index
    %swap3A_6 = tpu.vector_load %arg5[%swap3A] {strides = array<i32>} : memref<16xi32, #tpu.memory_space<vmem>>, vector<16xi32>,
    tpu.vector_store %arg5[%swap3A], %sort3A_4 {strides = array<i32>} : memref<16xi32, #tpu.memory_space<vmem>>, vector<16xi32>,
    %mul3A_7 = arith.constant 16 : i32
    %mul3A_8 = arith.muli %add3A_0, %mul3A_7 : i32
    %multiple_of3A_9 = tpu.assume_multiple %mul3A_8, 8 : i32
    "tpu.region"() ({
      %run_scoped3A = tpu.sem_alloc : memref<!tpu.dma_semaphore, #tpu.memory_space<semaphore_mem>>
      %dma_start3A = tpu.memref_slice %arg3[%multiple_of3A_9] : memref<512xi32, #tpu.memory_space<hbm>> -> memref<16xi32, #tpu.memory_space<hbm>>
      %dma_start3A_26 = tpu.memref_slice %arg3[%multiple_of3A_9] : memref<512xi32, #tpu.memory_space<hbm>> -> memref<16xi32, #tpu.memory_space<hbm>>
      tpu.enqueue_dma source(%arg5 : memref<16xi32, #tpu.memory_space<vmem>>) target(%dma_start3A_26 : memref<16xi32, #tpu.memory_space<hbm>>) target_semaphore(%run_scoped3A : memref<!tpu.dma_semaphore, #tpu.memory_space<semaphore_mem>>)
      %dma_wait3A = tpu.memref_slice %arg3[%multiple_of3A_9] : memref<512xi32, #tpu.memory_space<hbm>> -> memref<16xi32, #tpu.memory_space<hbm>>
      %dma_wait3A_27 = tpu.memref_slice %arg3[%multiple_of3A_9] : memref<512xi32, #tpu.memory_space<hbm>> -> memref<16xi32, #tpu.memory_space<hbm>>
      tpu.wait_dma2 semaphore(%run_scoped3A : memref<!tpu.dma_semaphore, #tpu.memory_space<semaphore_mem>>) src(%arg5 : memref<16xi32, #tpu.memory_space<vmem>>) dst(%dma_wait3A_27 : memref<16xi32, #tpu.memory_space<hbm>>)
      tpu.yield
    }) : () -> ()
    %add3A_10 = arith.constant 16 : i32
    %add3A_11 = arith.addi %arg1, %add3A_10 : i32
    %mul3A_12 = arith.constant 128 : i32
    %mul3A_13 = arith.muli %add3A_11, %mul3A_12 : i32
    %multiple_of3A_14 = tpu.assume_multiple %mul3A_13, 8 : i32
    "tpu.region"() ({
      %run_scoped3A = tpu.sem_alloc : memref<!tpu.dma_semaphore, #tpu.memory_space<semaphore_mem>>
      %dma_start3A = tpu.memref_slice %arg2[%multiple_of3A_14] : memref<4096xi32, #tpu.memory_space<hbm>> -> memref<128xi32, #tpu.memory_space<hbm>>
      %dma_start3A_26 = tpu.memref_slice %arg2[%multiple_of3A_14] : memref<4096xi32, #tpu.memory_space<hbm>> -> memref<128xi32, #tpu.memory_space<hbm>>
      tpu.enqueue_dma source(%dma_start3A_26 : memref<128xi32, #tpu.memory_space<hbm>>) target(%arg4 : memref<128xi32, #tpu.memory_space<vmem>>) target_semaphore(%run_scoped3A : memref<!tpu.dma_semaphore, #tpu.memory_space<semaphore_mem>>)
      %dma_wait3A = tpu.memref_slice %arg2[%multiple_of3A_14] : memref<4096xi32, #tpu.memory_space<hbm>> -> memref<128xi32, #tpu.memory_space<hbm>>
      %dma_wait3A_27 = tpu.memref_slice %arg2[%multiple_of3A_14] : memref<4096xi32, #tpu.memory_space<hbm>> -> memref<128xi32, #tpu.memory_space<hbm>>
      tpu.wait_dma2 semaphore(%run_scoped3A : memref<!tpu.dma_semaphore, #tpu.memory_space<semaphore_mem>>) src(%dma_wait3A_27 : memref<128xi32, #tpu.memory_space<hbm>>) dst(%arg4 : memref<128xi32, #tpu.memory_space<vmem>>)
      tpu.yield
    }) : () -> ()
    %get3A_15 = arith.constant 0 : index
    %get3A_16 = tpu.vector_load %arg4[%get3A_15] {strides = array<i32>} : memref<128xi32, #tpu.memory_space<vmem>>, vector<16xi32>,
    %sort3A_17 = arith.constant dense<true> : vector<16xi1>
    %sort3A_18, %sort3A_19, %sort3A_20 = tpu.sort %get3A_16, %get3A_16 masked %sort3A_17 : (vector<16xi32>, vector<16xi32>, vector<16xi1>) -> (vector<16xi1>, vector<16xi32>, vector<16xi32>)
    %swap3A_21 = arith.constant 0 : index
    %swap3A_22 = tpu.vector_load %arg5[%swap3A_21] {strides = array<i32>} : memref<16xi32, #tpu.memory_space<vmem>>, vector<16xi32>,
    tpu.vector_store %arg5[%swap3A_21], %sort3A_19 {strides = array<i32>} : memref<16xi32, #tpu.memory_space<vmem>>, vector<16xi32>,
    %mul3A_23 = arith.constant 16 : i32
    %mul3A_24 = arith.muli %add3A_11, %mul3A_23 : i32
    %multiple_of3A_25 = tpu.assume_multiple %mul3A_24, 8 : i32
    "tpu.region"() ({
      %run_scoped3A = tpu.sem_alloc : memref<!tpu.dma_semaphore, #tpu.memory_space<semaphore_mem>>
      %dma_start3A = tpu.memref_slice %arg3[%multiple_of3A_25] : memref<512xi32, #tpu.memory_space<hbm>> -> memref<16xi32, #tpu.memory_space<hbm>>
      %dma_start3A_26 = tpu.memref_slice %arg3[%multiple_of3A_25] : memref<512xi32, #tpu.memory_space<hbm>> -> memref<16xi32, #tpu.memory_space<hbm>>
      tpu.enqueue_dma source(%arg5 : memref<16xi32, #tpu.memory_space<vmem>>) target(%dma_start3A_26 : memref<16xi32, #tpu.memory_space<hbm>>) target_semaphore(%run_scoped3A : memref<!tpu.dma_semaphore, #tpu.memory_space<semaphore_mem>>)
      %dma_wait3A = tpu.memref_slice %arg3[%multiple_of3A_25] : memref<512xi32, #tpu.memory_space<hbm>> -> memref<16xi32, #tpu.memory_space<hbm>>
      %dma_wait3A_27 = tpu.memref_slice %arg3[%multiple_of3A_25] : memref<512xi32, #tpu.memory_space<hbm>> -> memref<16xi32, #tpu.memory_space<hbm>>
      tpu.wait_dma2 semaphore(%run_scoped3A : memref<!tpu.dma_semaphore, #tpu.memory_space<semaphore_mem>>) src(%arg5 : memref<16xi32, #tpu.memory_space<vmem>>) dst(%dma_wait3A_27 : memref<16xi32, #tpu.memory_space<hbm>>)
      tpu.yield
    }) : () -> ()
    return
  }
}

module attributes {stable_mosaic.version = 14 : i64} {
  func.func @_onehot_body(%arg0: i32, %arg1: memref<32x16xi32, #tpu.memory_space<smem>>, %arg2: memref<1x1x4x100000xf32, #tpu.memory_space<vmem>>) attributes {dimension_semantics = [#tpu.dimension_semantics<arbitrary>], iteration_bounds = array<i64: 32>, scalar_prefetch = 0 : i64, scratch_operands = 0 : i64, tpu.core_type = #tpu.core_type<tc>, window_params = [{transform_indices = @transform_0, window_bounds = array<i64: 32, 16>}, {transform_indices = @transform_1, window_bounds = array<i64: 1, 1, 4, 100000>}]} {
    %get3A = arith.index_cast %arg0 : i32 to index
    %get3A_0 = arith.constant 0 : index
    %get3A_1 = memref.load %arg1[%get3A, %get3A_0] : memref<32x16xi32, #tpu.memory_space<smem>>
    %get3A_2 = arith.index_cast %arg0 : i32 to index
    %get3A_3 = arith.constant 1 : index
    %get3A_4 = memref.load %arg1[%get3A_2, %get3A_3] : memref<32x16xi32, #tpu.memory_space<smem>>
    %get3A_5 = arith.index_cast %arg0 : i32 to index
    %get3A_6 = arith.constant 2 : index
    %get3A_7 = memref.load %arg1[%get3A_5, %get3A_6] : memref<32x16xi32, #tpu.memory_space<smem>>
    %get3A_8 = arith.index_cast %arg0 : i32 to index
    %get3A_9 = arith.constant 3 : index
    %get3A_10 = memref.load %arg1[%get3A_8, %get3A_9] : memref<32x16xi32, #tpu.memory_space<smem>>
    %iota3A = tpu.iota {dimensions = array<i32: 0>} : vector<4x1xi32>
    %eq3A = arith.constant 0 : i32
    %eq3A_11 = vector.broadcast %eq3A : i32 to vector<4x1xi32>
    %eq3A_12 = arith.cmpi eq, %iota3A, %eq3A_11 : vector<4x1xi32>
    %eq3A_13 = arith.constant 1 : i32
    %eq3A_14 = vector.broadcast %eq3A_13 : i32 to vector<4x1xi32>
    %eq3A_15 = arith.cmpi eq, %iota3A, %eq3A_14 : vector<4x1xi32>
    %eq3A_16 = arith.constant 2 : i32
    %eq3A_17 = vector.broadcast %eq3A_16 : i32 to vector<4x1xi32>
    %eq3A_18 = arith.cmpi eq, %iota3A, %eq3A_17 : vector<4x1xi32>
    %broadcast_in_dim3A = vector.broadcast %get3A_7 : i32 to vector<4x1xi32>
    %broadcast_in_dim3A_19 = vector.broadcast %get3A_10 : i32 to vector<4x1xi32>
    %select_n3A = arith.select %eq3A_18, %broadcast_in_dim3A, %broadcast_in_dim3A_19 : vector<4x1xi1>, vector<4x1xi32>
    %broadcast_in_dim3A_20 = vector.broadcast %get3A_4 : i32 to vector<4x1xi32>
    %select_n3A_21 = arith.select %eq3A_15, %broadcast_in_dim3A_20, %select_n3A : vector<4x1xi1>, vector<4x1xi32>
    %broadcast_in_dim3A_22 = vector.broadcast %get3A_1 : i32 to vector<4x1xi32>
    %select_n3A_23 = arith.select %eq3A_12, %broadcast_in_dim3A_22, %select_n3A_21 : vector<4x1xi1>, vector<4x1xi32>
    %iota3A_24 = tpu.iota {dimensions = array<i32: 1>} : vector<4x100000xi32>
    %eq3A_25 = vector.broadcast %select_n3A_23 : vector<4x1xi32> to vector<4x100000xi32>
    %eq3A_26 = arith.cmpi eq, %iota3A_24, %eq3A_25 : vector<4x100000xi32>
    %convert_element_type3A = arith.extui %eq3A_26 : vector<4x100000xi1> to vector<4x100000xi32>
    %convert_element_type3A_27 = arith.sitofp %convert_element_type3A : vector<4x100000xi32> to vector<4x100000xf32>
    %swap3A = arith.constant 0 : index
    %swap3A_28 = arith.constant 0 : index
    %swap3A_29 = arith.constant 0 : index
    %swap3A_30 = arith.constant 0 : index
    %swap3A_31 = vector.load %arg2[%swap3A, %swap3A_28, %swap3A_29, %swap3A_30] : memref<1x1x4x100000xf32, #tpu.memory_space<vmem>>, vector<1x1x4x100000xf32>
    %swap3A_32 = vector.shape_cast %swap3A_31 : vector<1x1x4x100000xf32> to vector<4x100000xf32>
    %swap3A_33 = vector.shape_cast %convert_element_type3A_27 : vector<4x100000xf32> to vector<1x1x4x100000xf32>
    tpu.vector_store %arg2[%swap3A, %swap3A_28, %swap3A_29, %swap3A_30], %swap3A_33 {strides = array<i32>} : memref<1x1x4x100000xf32, #tpu.memory_space<vmem>>, vector<1x1x4x100000xf32>,
    return
  }
  func.func @transform_0(%arg0: i32) -> (i32, i32) {
    %c0_i32 = arith.constant 0 : i32
    %c0_i32_0 = arith.constant 0 : i32
    %c0_i32_1 = arith.constant 0 : i32
    return %c0_i32, %c0_i32_0 : i32, i32
  }
  func.func @transform_1(%arg0: i32) -> (i32, i32, i32, i32) {
    %jit3A = arith.constant 16 : i32
    %div3A = arith.divsi %arg0, %jit3A : i32
    %sign3A = arith.constant 0 : i32
    %sign3A_0 = arith.cmpi sgt, %arg0, %sign3A : i32
    %sign3A_1 = arith.extui %sign3A_0 : i1 to i32
    %sign3A_2 = arith.constant 0 : i32
    %sign3A_3 = arith.cmpi slt, %arg0, %sign3A_2 : i32
    %sign3A_4 = arith.extui %sign3A_3 : i1 to i32
    %sign3A_5 = arith.subi %sign3A_1, %sign3A_4 : i32
    %sign3A_6 = arith.constant 0 : i32
    %sign3A_7 = arith.cmpi sgt, %jit3A, %sign3A_6 : i32
    %sign3A_8 = arith.extui %sign3A_7 : i1 to i32
    %sign3A_9 = arith.constant 0 : i32
    %sign3A_10 = arith.cmpi slt, %jit3A, %sign3A_9 : i32
    %sign3A_11 = arith.extui %sign3A_10 : i1 to i32
    %sign3A_12 = arith.subi %sign3A_8, %sign3A_11 : i32
    %ne3A = arith.cmpi ne, %sign3A_5, %sign3A_12 : i32
    %rem3A = arith.remsi %arg0, %jit3A : i32
    %ne3A_13 = arith.constant 0 : i32
    %ne3A_14 = arith.cmpi ne, %rem3A, %ne3A_13 : i32
    %and3A = arith.andi %ne3A, %ne3A_14 : i1
    %sub3A = arith.constant 1 : i32
    %sub3A_15 = arith.subi %div3A, %sub3A : i32
    %select_n3A = arith.select %and3A, %sub3A_15, %div3A : i32
    %jit3A_16 = arith.constant 16 : i32
    %eq3A = arith.constant 0 : i32
    %eq3A_17 = arith.cmpi eq, %jit3A_16, %eq3A : i32
    %jit3A_18 = arith.constant 1 : i32
    %select_n3A_19 = arith.select %eq3A_17, %jit3A_18, %jit3A_16 : i32
    %rem3A_20 = arith.remsi %arg0, %select_n3A_19 : i32
    %ne3A_21 = arith.constant 0 : i32
    %ne3A_22 = arith.cmpi ne, %rem3A_20, %ne3A_21 : i32
    %lt3A = arith.constant 0 : i32
    %lt3A_23 = arith.cmpi slt, %rem3A_20, %lt3A : i32
    %lt3A_24 = arith.constant 0 : i32
    %lt3A_25 = arith.cmpi slt, %select_n3A_19, %lt3A_24 : i32
    %ne3A_26 = arith.xori %lt3A_23, %lt3A_25 : i1
    %and3A_27 = arith.andi %ne3A_26, %ne3A_22 : i1
    %add3A = arith.addi %rem3A_20, %select_n3A_19 : i32
    %select_n3A_28 = arith.select %and3A_27, %add3A, %rem3A_20 : i32
    %c0_i32 = arith.constant 0 : i32
    %c0_i32_29 = arith.constant 0 : i32
    %c0_i32_30 = arith.constant 0 : i32
    return %select_n3A, %select_n3A_28, %c0_i32, %c0_i32_29 : i32, i32, i32, i32
  }
}

module attributes {stable_mosaic.version = 14 : i64} {
  func.func @_topk_body(%arg0: i32, %arg1: memref<8x100000xf32, #tpu.memory_space<vmem>>, %arg2: memref<8x100000xf32, #tpu.memory_space<vmem>>, %arg3: memref<8x128xi32, #tpu.memory_space<vmem>>) attributes {dimension_semantics = [#tpu.dimension_semantics<arbitrary>], iteration_bounds = array<i64: 4>, scalar_prefetch = 0 : i64, scratch_operands = 0 : i64, tpu.core_type = #tpu.core_type<tc>, window_params = [{transform_indices = @transform_0, window_bounds = array<i64: 8, 100000>}, {transform_indices = @transform_1, window_bounds = array<i64: 8, 100000>}, {transform_indices = @transform_2, window_bounds = array<i64: 8, 128>}]} {
    %get3A = arith.constant 0 : index
    %get3A_0 = arith.constant 0 : index
    %get3A_1 = vector.load %arg1[%get3A, %get3A_0] : memref<8x100000xf32, #tpu.memory_space<vmem>>, vector<8x100000xf32>
    %get3A_2 = arith.constant 0 : index
    %get3A_3 = arith.constant 0 : index
    %get3A_4 = vector.load %arg2[%get3A_2, %get3A_3] : memref<8x100000xf32, #tpu.memory_space<vmem>>, vector<8x100000xf32>
    %add3A = arith.addf %get3A_1, %get3A_4 : vector<8x100000xf32>
    %iota3A = tpu.iota {dimensions = array<i32: 1>} : vector<8x100000xi32>
    %reduce_max3A = arith.constant dense<0xFF800000> : vector<8xf32>
    %reduce_max3A_5 = vector.multi_reduction <maximumf>, %add3A, %reduce_max3A [1] : vector<8x100000xf32> to vector<8xf32>
    %broadcast_in_dim3A = vector.shape_cast %reduce_max3A_5 : vector<8xf32> to vector<8x1xf32>
    %eq3A = vector.broadcast %broadcast_in_dim3A : vector<8x1xf32> to vector<8x100000xf32>
    %eq3A_6 = arith.cmpf oeq, %add3A, %eq3A : vector<8x100000xf32>
    %jit3A = arith.constant 100000 : i32
    %broadcast_in_dim3A_7 = vector.broadcast %jit3A : i32 to vector<8x100000xi32>
    %select_n3A = arith.select %eq3A_6, %iota3A, %broadcast_in_dim3A_7 : vector<8x100000xi1>, vector<8x100000xi32>
    %reduce_min3A = arith.constant dense<2147483647> : vector<8xi32>
    %reduce_min3A_8 = vector.multi_reduction <minsi>, %select_n3A, %reduce_min3A [1] : vector<8x100000xi32> to vector<8xi32>
    %broadcast_in_dim3A_9 = vector.shape_cast %reduce_min3A_8 : vector<8xi32> to vector<8x1xi32>
    %eq3A_10 = vector.broadcast %broadcast_in_dim3A_9 : vector<8x1xi32> to vector<8x100000xi32>
    %eq3A_11 = arith.cmpi eq, %iota3A, %eq3A_10 : vector<8x100000xi32>
    %jit3A_12 = arith.constant 0xFF800000 : f32
    %broadcast_in_dim3A_13 = vector.broadcast %jit3A_12 : f32 to vector<8x100000xf32>
    %select_n3A_14 = arith.select %eq3A_11, %broadcast_in_dim3A_13, %add3A : vector<8x100000xi1>, vector<8x100000xf32>
    %reduce_max3A_15 = arith.constant dense<0xFF800000> : vector<8xf32>
    %reduce_max3A_16 = vector.multi_reduction <maximumf>, %select_n3A_14, %reduce_max3A_15 [1] : vector<8x100000xf32> to vector<8xf32>
    %broadcast_in_dim3A_17 = vector.shape_cast %reduce_max3A_16 : vector<8xf32> to vector<8x1xf32>
    %eq3A_18 = vector.broadcast %broadcast_in_dim3A_17 : vector<8x1xf32> to vector<8x100000xf32>
    %eq3A_19 = arith.cmpf oeq, %select_n3A_14, %eq3A_18 : vector<8x100000xf32>
    %jit3A_20 = arith.constant 100000 : i32
    %broadcast_in_dim3A_21 = vector.broadcast %jit3A_20 : i32 to vector<8x100000xi32>
    %select_n3A_22 = arith.select %eq3A_19, %iota3A, %broadcast_in_dim3A_21 : vector<8x100000xi1>, vector<8x100000xi32>
    %reduce_min3A_23 = arith.constant dense<2147483647> : vector<8xi32>
    %reduce_min3A_24 = vector.multi_reduction <minsi>, %select_n3A_22, %reduce_min3A_23 [1] : vector<8x100000xi32> to vector<8xi32>
    %broadcast_in_dim3A_25 = vector.shape_cast %reduce_min3A_24 : vector<8xi32> to vector<8x1xi32>
    %eq3A_26 = vector.broadcast %broadcast_in_dim3A_25 : vector<8x1xi32> to vector<8x100000xi32>
    %eq3A_27 = arith.cmpi eq, %iota3A, %eq3A_26 : vector<8x100000xi32>
    %jit3A_28 = arith.constant 0xFF800000 : f32
    %broadcast_in_dim3A_29 = vector.broadcast %jit3A_28 : f32 to vector<8x100000xf32>
    %select_n3A_30 = arith.select %eq3A_27, %broadcast_in_dim3A_29, %select_n3A_14 : vector<8x100000xi1>, vector<8x100000xf32>
    %reduce_max3A_31 = arith.constant dense<0xFF800000> : vector<8xf32>
    %reduce_max3A_32 = vector.multi_reduction <maximumf>, %select_n3A_30, %reduce_max3A_31 [1] : vector<8x100000xf32> to vector<8xf32>
    %broadcast_in_dim3A_33 = vector.shape_cast %reduce_max3A_32 : vector<8xf32> to vector<8x1xf32>
    %eq3A_34 = vector.broadcast %broadcast_in_dim3A_33 : vector<8x1xf32> to vector<8x100000xf32>
    %eq3A_35 = arith.cmpf oeq, %select_n3A_30, %eq3A_34 : vector<8x100000xf32>
    %jit3A_36 = arith.constant 100000 : i32
    %broadcast_in_dim3A_37 = vector.broadcast %jit3A_36 : i32 to vector<8x100000xi32>
    %select_n3A_38 = arith.select %eq3A_35, %iota3A, %broadcast_in_dim3A_37 : vector<8x100000xi1>, vector<8x100000xi32>
    %reduce_min3A_39 = arith.constant dense<2147483647> : vector<8xi32>
    %reduce_min3A_40 = vector.multi_reduction <minsi>, %select_n3A_38, %reduce_min3A_39 [1] : vector<8x100000xi32> to vector<8xi32>
    %broadcast_in_dim3A_41 = vector.shape_cast %reduce_min3A_40 : vector<8xi32> to vector<8x1xi32>
    %eq3A_42 = vector.broadcast %broadcast_in_dim3A_41 : vector<8x1xi32> to vector<8x100000xi32>
    %eq3A_43 = arith.cmpi eq, %iota3A, %eq3A_42 : vector<8x100000xi32>
    %jit3A_44 = arith.constant 0xFF800000 : f32
    %broadcast_in_dim3A_45 = vector.broadcast %jit3A_44 : f32 to vector<8x100000xf32>
    %select_n3A_46 = arith.select %eq3A_43, %broadcast_in_dim3A_45, %select_n3A_30 : vector<8x100000xi1>, vector<8x100000xf32>
    %reduce_max3A_47 = arith.constant dense<0xFF800000> : vector<8xf32>
    %reduce_max3A_48 = vector.multi_reduction <maximumf>, %select_n3A_46, %reduce_max3A_47 [1] : vector<8x100000xf32> to vector<8xf32>
    %broadcast_in_dim3A_49 = vector.shape_cast %reduce_max3A_48 : vector<8xf32> to vector<8x1xf32>
    %eq3A_50 = vector.broadcast %broadcast_in_dim3A_49 : vector<8x1xf32> to vector<8x100000xf32>
    %eq3A_51 = arith.cmpf oeq, %select_n3A_46, %eq3A_50 : vector<8x100000xf32>
    %jit3A_52 = arith.constant 100000 : i32
    %broadcast_in_dim3A_53 = vector.broadcast %jit3A_52 : i32 to vector<8x100000xi32>
    %select_n3A_54 = arith.select %eq3A_51, %iota3A, %broadcast_in_dim3A_53 : vector<8x100000xi1>, vector<8x100000xi32>
    %reduce_min3A_55 = arith.constant dense<2147483647> : vector<8xi32>
    %reduce_min3A_56 = vector.multi_reduction <minsi>, %select_n3A_54, %reduce_min3A_55 [1] : vector<8x100000xi32> to vector<8xi32>
    %broadcast_in_dim3A_57 = vector.shape_cast %reduce_min3A_56 : vector<8xi32> to vector<8x1xi32>
    %broadcast_in_dim3A_58 = arith.constant 1073741824 : i32
    %broadcast_in_dim3A_59 = vector.broadcast %broadcast_in_dim3A_58 : i32 to vector<8x124xi32>
    %concatenate3A = tpu.concatenate %broadcast_in_dim3A_9, %broadcast_in_dim3A_25, %broadcast_in_dim3A_41, %broadcast_in_dim3A_57, %broadcast_in_dim3A_59 in 1 : vector<8x1xi32>, vector<8x1xi32>, vector<8x1xi32>, vector<8x1xi32>, vector<8x124xi32> -> vector<8x128xi32>
    %swap3A = arith.constant 0 : index
    %swap3A_60 = arith.constant 0 : index
    %swap3A_61 = vector.load %arg3[%swap3A, %swap3A_60] : memref<8x128xi32, #tpu.memory_space<vmem>>, vector<8x128xi32>
    tpu.vector_store %arg3[%swap3A, %swap3A_60], %concatenate3A {strides = array<i32>} : memref<8x128xi32, #tpu.memory_space<vmem>>, vector<8x128xi32>,
    return
  }
  func.func @transform_0(%arg0: i32) -> (i32, i32) {
    %jit3A = arith.constant 2 : i32
    %div3A = arith.divsi %arg0, %jit3A : i32
    %sign3A = arith.constant 0 : i32
    %sign3A_0 = arith.cmpi sgt, %arg0, %sign3A : i32
    %sign3A_1 = arith.extui %sign3A_0 : i1 to i32
    %sign3A_2 = arith.constant 0 : i32
    %sign3A_3 = arith.cmpi slt, %arg0, %sign3A_2 : i32
    %sign3A_4 = arith.extui %sign3A_3 : i1 to i32
    %sign3A_5 = arith.subi %sign3A_1, %sign3A_4 : i32
    %sign3A_6 = arith.constant 0 : i32
    %sign3A_7 = arith.cmpi sgt, %jit3A, %sign3A_6 : i32
    %sign3A_8 = arith.extui %sign3A_7 : i1 to i32
    %sign3A_9 = arith.constant 0 : i32
    %sign3A_10 = arith.cmpi slt, %jit3A, %sign3A_9 : i32
    %sign3A_11 = arith.extui %sign3A_10 : i1 to i32
    %sign3A_12 = arith.subi %sign3A_8, %sign3A_11 : i32
    %ne3A = arith.cmpi ne, %sign3A_5, %sign3A_12 : i32
    %rem3A = arith.remsi %arg0, %jit3A : i32
    %ne3A_13 = arith.constant 0 : i32
    %ne3A_14 = arith.cmpi ne, %rem3A, %ne3A_13 : i32
    %and3A = arith.andi %ne3A, %ne3A_14 : i1
    %sub3A = arith.constant 1 : i32
    %sub3A_15 = arith.subi %div3A, %sub3A : i32
    %select_n3A = arith.select %and3A, %sub3A_15, %div3A : i32
    %c0_i32 = arith.constant 0 : i32
    %c0_i32_16 = arith.constant 0 : i32
    return %select_n3A, %c0_i32 : i32, i32
  }
  func.func @transform_1(%arg0: i32) -> (i32, i32) {
    %jit3A = arith.constant 2 : i32
    %eq3A = arith.constant 0 : i32
    %eq3A_0 = arith.cmpi eq, %jit3A, %eq3A : i32
    %jit3A_1 = arith.constant 1 : i32
    %select_n3A = arith.select %eq3A_0, %jit3A_1, %jit3A : i32
    %rem3A = arith.remsi %arg0, %select_n3A : i32
    %ne3A = arith.constant 0 : i32
    %ne3A_2 = arith.cmpi ne, %rem3A, %ne3A : i32
    %lt3A = arith.constant 0 : i32
    %lt3A_3 = arith.cmpi slt, %rem3A, %lt3A : i32
    %lt3A_4 = arith.constant 0 : i32
    %lt3A_5 = arith.cmpi slt, %select_n3A, %lt3A_4 : i32
    %ne3A_6 = arith.xori %lt3A_3, %lt3A_5 : i1
    %and3A = arith.andi %ne3A_6, %ne3A_2 : i1
    %add3A = arith.addi %rem3A, %select_n3A : i32
    %select_n3A_7 = arith.select %and3A, %add3A, %rem3A : i32
    %mul3A = arith.constant 2 : i32
    %mul3A_8 = arith.muli %select_n3A_7, %mul3A : i32
    %jit3A_9 = arith.constant 2 : i32
    %div3A = arith.divsi %arg0, %jit3A_9 : i32
    %sign3A = arith.constant 0 : i32
    %sign3A_10 = arith.cmpi sgt, %arg0, %sign3A : i32
    %sign3A_11 = arith.extui %sign3A_10 : i1 to i32
    %sign3A_12 = arith.constant 0 : i32
    %sign3A_13 = arith.cmpi slt, %arg0, %sign3A_12 : i32
    %sign3A_14 = arith.extui %sign3A_13 : i1 to i32
    %sign3A_15 = arith.subi %sign3A_11, %sign3A_14 : i32
    %sign3A_16 = arith.constant 0 : i32
    %sign3A_17 = arith.cmpi sgt, %jit3A_9, %sign3A_16 : i32
    %sign3A_18 = arith.extui %sign3A_17 : i1 to i32
    %sign3A_19 = arith.constant 0 : i32
    %sign3A_20 = arith.cmpi slt, %jit3A_9, %sign3A_19 : i32
    %sign3A_21 = arith.extui %sign3A_20 : i1 to i32
    %sign3A_22 = arith.subi %sign3A_18, %sign3A_21 : i32
    %ne3A_23 = arith.cmpi ne, %sign3A_15, %sign3A_22 : i32
    %rem3A_24 = arith.remsi %arg0, %jit3A_9 : i32
    %ne3A_25 = arith.constant 0 : i32
    %ne3A_26 = arith.cmpi ne, %rem3A_24, %ne3A_25 : i32
    %and3A_27 = arith.andi %ne3A_23, %ne3A_26 : i1
    %sub3A = arith.constant 1 : i32
    %sub3A_28 = arith.subi %div3A, %sub3A : i32
    %select_n3A_29 = arith.select %and3A_27, %sub3A_28, %div3A : i32
    %add3A_30 = arith.addi %mul3A_8, %select_n3A_29 : i32
    %c0_i32 = arith.constant 0 : i32
    %c0_i32_31 = arith.constant 0 : i32
    return %add3A_30, %c0_i32 : i32, i32
  }
  func.func @transform_2(%arg0: i32) -> (i32, i32) {
    %jit3A = arith.constant 2 : i32
    %eq3A = arith.constant 0 : i32
    %eq3A_0 = arith.cmpi eq, %jit3A, %eq3A : i32
    %jit3A_1 = arith.constant 1 : i32
    %select_n3A = arith.select %eq3A_0, %jit3A_1, %jit3A : i32
    %rem3A = arith.remsi %arg0, %select_n3A : i32
    %ne3A = arith.constant 0 : i32
    %ne3A_2 = arith.cmpi ne, %rem3A, %ne3A : i32
    %lt3A = arith.constant 0 : i32
    %lt3A_3 = arith.cmpi slt, %rem3A, %lt3A : i32
    %lt3A_4 = arith.constant 0 : i32
    %lt3A_5 = arith.cmpi slt, %select_n3A, %lt3A_4 : i32
    %ne3A_6 = arith.xori %lt3A_3, %lt3A_5 : i1
    %and3A = arith.andi %ne3A_6, %ne3A_2 : i1
    %add3A = arith.addi %rem3A, %select_n3A : i32
    %select_n3A_7 = arith.select %and3A, %add3A, %rem3A : i32
    %mul3A = arith.constant 2 : i32
    %mul3A_8 = arith.muli %select_n3A_7, %mul3A : i32
    %jit3A_9 = arith.constant 2 : i32
    %div3A = arith.divsi %arg0, %jit3A_9 : i32
    %sign3A = arith.constant 0 : i32
    %sign3A_10 = arith.cmpi sgt, %arg0, %sign3A : i32
    %sign3A_11 = arith.extui %sign3A_10 : i1 to i32
    %sign3A_12 = arith.constant 0 : i32
    %sign3A_13 = arith.cmpi slt, %arg0, %sign3A_12 : i32
    %sign3A_14 = arith.extui %sign3A_13 : i1 to i32
    %sign3A_15 = arith.subi %sign3A_11, %sign3A_14 : i32
    %sign3A_16 = arith.constant 0 : i32
    %sign3A_17 = arith.cmpi sgt, %jit3A_9, %sign3A_16 : i32
    %sign3A_18 = arith.extui %sign3A_17 : i1 to i32
    %sign3A_19 = arith.constant 0 : i32
    %sign3A_20 = arith.cmpi slt, %jit3A_9, %sign3A_19 : i32
    %sign3A_21 = arith.extui %sign3A_20 : i1 to i32
    %sign3A_22 = arith.subi %sign3A_18, %sign3A_21 : i32
    %ne3A_23 = arith.cmpi ne, %sign3A_15, %sign3A_22 : i32
    %rem3A_24 = arith.remsi %arg0, %jit3A_9 : i32
    %ne3A_25 = arith.constant 0 : i32
    %ne3A_26 = arith.cmpi ne, %rem3A_24, %ne3A_25 : i32
    %and3A_27 = arith.andi %ne3A_23, %ne3A_26 : i1
    %sub3A = arith.constant 1 : i32
    %sub3A_28 = arith.subi %div3A, %sub3A : i32
    %select_n3A_29 = arith.select %and3A_27, %sub3A_28, %div3A : i32
    %add3A_30 = arith.addi %mul3A_8, %select_n3A_29 : i32
    %c0_i32 = arith.constant 0 : i32
    %c0_i32_31 = arith.constant 0 : i32
    return %add3A_30, %c0_i32 : i32, i32
  }
}

</mosaic_0001>

<sc_bundles>
// kernel: kernel.5.cloned.1.call-start
scs
__scs_entry_jumppad:
0x0: {  	(pc) =	sbr.rel $0x88, $3  }
0x1: {  	(tag) =	ssettag $0x0;
	lr =	simm.s32 $0x1  }
0x2: {  	[smem:$0x3F9F] =	sst lr;
	_ =	strace $0xD0000000  }
0x3: {  	_ = 	snop  }
0x4: {  	_ = 	snop  }
0x5: {  	_ = 	snop  }
0x6: {  	_ = 	snop  }
0x7: {  	_ = 	snop  }
__scs_overlays_trampoline_lowered:
0x8: {  	[smem:$0x3FAE] =	sst s0  }
0x9: {  	[smem:$0x3FAF] =	sst s1  }
0xa: {  	[smem:$0x3FB0] =	sst s2  }
0xb: {  	[smem:$0x3FB1] =	sst s3  }
0xc: {  	[smem:$0x3FB2] =	sst s4  }
0xd: {  	[smem:$0x3FB3] =	sst s5  }
0xe: {  	[smem:$0x3FB4] =	sst s6  }
0xf: {  	[smem:$0x3FB5] =	sst s7  }
0x10: {  	[smem:$0x3FB6] =	sst s8  }
0x11: {  	[smem:$0x3FB7] =	sst s9;
	s0 =	simm.s32 @!p0 $0x0  }
0x12: {  	s1 =	sld [smem:$0x3F9D];
	s0 =	simm.s32 @p0 $0x1  }
0x13: {  	[smem:$0x3FB8] =	sst s0;
	s0 =	simm.s32 @!p1 $0x0  }
0x14: {  	s2 =	sld [smem:$0x3F9C];
	s0 =	simm.s32 @p1 $0x1  }
0x15: {  	[smem:$0x3FB9] =	sst s0;
	s0 =	simm.s32 @!p2 $0x0  }
0x16: {  	s3 =	sld [smem:$0x3FDB];
	s0 =	simm.s32 @p2 $0x1  }
0x17: {  	s4 =	simm.s32 $0x1BF5;
	[smem:$0x3FBB] =	sst s0  }
0x18: {  	s0 =	sld [smem:$0x3F9E];
	_ =	swait.ge [sflag:s4], $0x0  }
0x19: {  	s7 =	sld [smem:$0x3F9F]  }
0x1a: {  	s8 =	sadd.s32 $0xFFFFE003, lr  }
0x1b: {  	s9 =	sadd.s32 $0xFFFFFEF7, lr;
	s5 =	simm.s32 $0xFFFFFFFF;
	p2 =	slt.u32 s8, $0xFFFFF086  }
0x1c: {  	p1 =	slt.u32 s9, $0xF7A;
	s5 =	simm.s32 @!p2 $0x0  }
0x1d: {  	s5 =	simm.s32 @p1 $0x1;
	p0 =	seq.s32 s7, s2  }
0x1e: {  	s7 =	smul.u32 @!p0 $0xF7A, s2;
	p2 =	seq.s32 @!p0 s5, $0x0  }
0x1f: {  	s9 =	smul.u32 $0xF7A, s1;
	s8 =	simm.s32 @!p0 $0x1BF5;
	p2 =	por !p2, p0  }
0x20: {  	[sflag:s8] =	ssyncset.s32 @!p0 $0xFFFFF086;
	s6 =	sadd.s32 @!p0 s3, s7;
	s7 =	simm.s32 @!p0 $0x108  }
0x21: {  	s3 =	sadd.s32 s3, s9;
	s6 =	sadd.s32 @!p0 $0x88, s6;
	s7 =	simm.s32 @p2 $0x1082  }
0x22: {  	[simem:s7], [sflag:s8] =	dma.local @!p0 [hbm:s6], $0xF7A  }
0x23: {  	s9 =	sor.u32 $0xD0000000, s2;
	s6 =	simm.s32 $0x108;
	_ =	swait.ge @!p0 [sflag:s8], $0x0  }
0x24: {  	s3 =	sadd.s32 $0x88, s3;
	s6 =	simm.s32 @!p1 $0x1082;
	[sflag:s4] =	ssyncset.s32 $0xFFFFF086  }
0x25: {  	[simem:s6], [sflag:s4] =	dma.local [hbm:s3], $0xF7A  }
0x26: {  	[smem:$0x3F9F] =	sst s1;
	(tag) =	ssettag s2;
	_ =	strace s9  }
0x27: {  	s1 =	sld [smem:$0x3FAF]  }
0x28: {  	s2 =	sld [smem:$0x3FB0]  }
0x29: {  	s4 =	sld [smem:$0x3FB2]  }
0x2a: {  	p0 =	seq.s32 s5, $0x0;
	s5 =	sld [smem:$0x3FB3]  }
0x2b: {  	s6 =	sld [smem:$0x3FB4]  }
0x2c: {  	s7 =	sld [smem:$0x3FB5]  }
0x2d: {  	s3 =	simm.s32 $0x108;
	s8 =	sld [smem:$0x3FB6]  }
0x2e: {  	s3 =	simm.s32 @!p0 $0x1082;
	s9 =	sld [smem:$0x3FB7]  }
0x2f: {  	lr =	sadd.s32 s0, s3;
	s0 =	sld [smem:$0x3FAE]  }
0x30: {  	s3 =	sld [smem:$0x3FB1]  }
0x31: {  	[smem:$0x3FBA] =	sst s10  }
0x32: {  	s10 =	sld [smem:$0x3FB8];
	_ =	sdelay $0x3  }
0x33: {  	p0 =	seq.s32 s10, $0x1;
	s10 =	sld [smem:$0x3FBA];
	_ =	sdelay $0x3  }
0x34: {  	[smem:$0x3FBA] =	sst s10  }
0x35: {  	s10 =	sld [smem:$0x3FB9];
	_ =	sdelay $0x3  }
0x36: {  	p1 =	seq.s32 s10, $0x1;
	s10 =	sld [smem:$0x3FBA];
	_ =	sdelay $0x3  }
0x37: {  	[smem:$0x3FBA] =	sst s10  }
0x38: {  	s10 =	sld [smem:$0x3FBB]  }
0x39: {  	_ = 	snop;
	(pc) =	sbr.ind lr, $3  }
0x3a: {  	_ = 	snop  }
0x3b: {  	_ = 	snop  }
0x3c: {  	p2 =	seq.s32 s10, $0x1;
	s10 =	sld [smem:$0x3FBA]  }
0x3d: {  	_ =	shalt  }
0x3e: {  	_ =	shalt  }
0x3f: {  	_ =	shalt  }
0x40: {  	_ =	shalt  }
0x41: {  	_ =	shalt  }
0x42: {  	_ =	shalt  }
0x43: {  	_ =	shalt  }
0x44: {  	_ =	shalt  }
0x45: {  	_ =	shalt  }
0x46: {  	_ =	shalt  }
0x47: {  	_ =	shalt  }
0x48: {  	_ =	shalt  }
0x49: {  	_ =	shalt  }
0x4a: {  	_ =	shalt  }
0x4b: {  	_ =	shalt  }
0x4c: {  	_ =	shalt  }
0x4d: {  	_ =	shalt  }
0x4e: {  	_ =	shalt  }
0x4f: {  	_ =	shalt  }
0x50: {  	_ =	shalt  }
0x51: {  	_ =	shalt  }
0x52: {  	_ =	shalt  }
0x53: {  	_ =	shalt  }
0x54: {  	_ =	shalt  }
0x55: {  	_ =	shalt  }
0x56: {  	_ =	shalt  }
0x57: {  	_ =	shalt  }
0x58: {  	_ =	shalt  }
0x59: {  	_ =	shalt  }
0x5a: {  	_ =	shalt  }
0x5b: {  	_ =	shalt  }
0x5c: {  	_ =	shalt  }
0x5d: {  	_ =	shalt  }
0x5e: {  	_ =	shalt  }
0x5f: {  	_ =	shalt  }
0x60: {  	_ =	shalt  }
0x61: {  	_ =	shalt  }
0x62: {  	_ =	shalt  }
0x63: {  	_ =	shalt  }
0x64: {  	_ =	shalt  }
0x65: {  	_ =	shalt  }
0x66: {  	_ =	shalt  }
0x67: {  	_ =	shalt  }
0x68: {  	_ =	shalt  }
0x69: {  	_ =	shalt  }
0x6a: {  	_ =	shalt  }
0x6b: {  	_ =	shalt  }
0x6c: {  	_ =	shalt  }
0x6d: {  	_ =	shalt  }
0x6e: {  	_ =	shalt  }
0x6f: {  	_ =	shalt  }
0x70: {  	_ =	shalt  }
0x71: {  	_ =	shalt  }
0x72: {  	_ =	shalt  }
0x73: {  	_ =	shalt  }
0x74: {  	_ =	shalt  }
0x75: {  	_ =	shalt  }
0x76: {  	_ =	shalt  }
0x77: {  	_ =	shalt  }
0x78: {  	_ =	shalt  }
0x79: {  	_ =	shalt  }
0x7a: {  	_ =	shalt  }
0x7b: {  	_ =	shalt  }
0x7c: {  	_ =	shalt  }
0x7d: {  	_ =	shalt  }
0x7e: {  	_ =	shalt  }
0x7f: {  	_ =	shalt  }
0x80: {  	_ =	shalt  }
0x81: {  	_ =	shalt  }
0x82: {  	_ =	shalt  }
0x83: {  	_ =	shalt  }
0x84: {  	_ =	shalt  }
0x85: {  	_ =	shalt  }
0x86: {  	_ =	shalt  }
0x87: {  	_ =	shalt  }
.Lfunc_end0:
.L_simem_size_0:
called_computation_lowered:
.L_overlay_start_0:
0x88: {  	s0 =	sld [smem:$0x3FD9]  }
0x89: {  	s1 =	sld [smem:$0x3FFE];
	_ =	sdelay $0x3  }
0x8a: {  	s0 =	sadd.s32 s1, s0  }
0x8b: {  	[smem:$0x3FC6] =	sst s0  }
0x8c: {  	_ = 	snop  }
0x8d: {  	s0 =	sld [smem:$0x3FD0];
	(tm) =	ssettm $0x1  }
0x8e: {  	s16 =	sld [smem:$0x3FFB];
	_ =	sdelay $0x3  }
0x8f: {  	_ =	strace s16  }
0x90: {  	s1 =	sld [smem:$0x3FFC];
	_ =	sdelay $0x3  }
0x91: {  	_ =	strace s1  }
0x92: {  	s1 =	sld [smem:$0x3FFD];
	_ =	sdelay $0x3  }
0x93: {  	_ =	strace s1  }
0x94: {  	_ =	strace $0x8FFFFFFF  }
0x95: {  	s17 =	sld [smem:$0x3FDB];
	_ =	sdelay $0x1  }
0x96: {  	s2 =	simm.s32 $_scs_section_size  }
0x97: {  	s3 =	simm.s32 $_size__tile_overlayer_lowered;
	s4 =	simm.s32 $_tile_overlayer_lowered  }
0x98: {  	s20 =	simm.s32 $0x1BFF;
	s19 =	sshll.u32 s4, $0x1;
	s1 =	sadd.s32 s2, s17  }
0x99: {  	s5 =	simm.s32 $0x0;
	s18 =	sshll.u32 s3, $0x1;
	s3 =	sadd.s32 s19, s1  }
0x9a: {  	[timem:s5], [sflag:s20] =	dma.local [hbm:s3], s18  }
0x9b: {  	_ =	swait.ge [sflag:s20], s18  }
0x9c: {  	s2 =	ssub.s32 $0x0, s18;
	[sflag:s20] =	ssyncset.done $0x0  }
0x9d: {  	[sflag:s20] =	ssyncadd.s32 s2;
	_ =	sdelay $0x1  }
0x9e: {  	s21 =	simm.s32 $0x1B8B  }
0x9f: {  	_ =	swait.ge [sflag:s21], $0x1  }
0xa0: {  	[sflag:s21] =	ssyncset.done $0x0  }
0xa1: {  	s23 =	simm.s32 $0x1B8E;
	s22 =	sld [smem:$0x3FFE];
	[sflag:s21] =	ssyncadd.s32 $0xFFFFFFFF  }
0xa2: {  	s24 =	simm.s32 $execute0_lowered;
	[smem:$0x3FD2] =	sst s23  }
0xa3: {  	s3 =	sshll.u32 s24, $0x1;
	_ =	strace $0x80000046;
	[dreg:$0x1] =	wrdreg $0xFFFFFFFF  }
0xa4: {  	s25 =	simm.s32 $_size_execute0_lowered;
	s1 =	sadd.s32 s1, s3;
	[dreg:$0x0] =	wrdreg $0x0  }
0xa5: {  	s3 =	sshll.u32 s25, $0x1;
	[dreg:$0x2] =	wrdreg s1  }
0xa6: {  	[dreg:$0x3] =	wrdreg s3  }
0xa7: {  	[dreg:$0x4] =	wrdreg $0xC0  }
0xa8: {  	_ =	task [dreg:s5], $0x5FFFF  }
0xa9: {  	[dreg:$0x1] =	wrdreg $0xFFFFFFFF  }
0xaa: {  	[dreg:$0x0] =	wrdreg $0x60  }
0xab: {  	[dreg:$0x2] =	wrdreg s0  }
0xac: {  	[dreg:$0x3] =	wrdreg s22  }
0xad: {  	[dreg:$0x4] =	wrdreg $0x9  }
0xae: {  	_ =	task.clear_ibuf [dreg:s5], $0x5FFFF;
	_ =	strace $0x90000046  }
0xaf: {  	s26 =	simm.s32 $0x9;
	_ =	strace $0x80000048  }
0xb0: {  	_ =	swait.ge [sflag:s26], $0x1  }
0xb1: {  	[sflag:s26] =	ssyncadd.s32 $0xFFFFFFFF  }
0xb2: {  	_ =	strace $0x90000048  }
0xb3: {  	_ =	sfence  }
0xb4: {  	s28 =	sld [smem:$0x0];
	_ =	sdelay $0x1  }
0xb5: {  	s29 =	srdreg.scid  }
0xb6: {  	s30 =	sshll.u32 s29, $0xD;
	s31 =	sshrl.u32 s29, $0x2  }
0xb7: {  	s2 =	sand.u32 $0x4000, s30;
	s1 =	sand.u32 $0x1, s29;
	s0 =	sadd.s32 s31, s28  }
0xb8: {  	s1 =	sor.u32 s2, s1;
	s0 =	sshll.u32 s0, $0x11  }
0xb9: {  	s0 =	sor.u32 s0, s1  }
0xba: {  	s0 =	sadd.s32 $0x8F2B, s0  }
0xbb: {  	[sflag:s0] =	ssyncadd.remote.s32 $0x1  }
0xbc: {  	_ =	sfence.sel $0xFFFF  }
0xbd: {  	[dreg:$0x0] =	wrdreg $0xFFFFFFFF;
	(pc) =	sbr.abs _section_cstart, $3  }
0xbe: {  	[dreg:$0x1] =	wrdreg $0xFFFFFFFF  }
0xbf: {  	_ =	task.clear_ibuf [dreg:s5], $0x2FFFF;
	_ =	strace $0x9FFFFFFF  }
0xc0: {  	(tm) =	ssettm $0x7FFFFFFF  }
0xc1: {  	_ =	shalt  }
tec
execute0_lowered:
.L_overlay_start_1:
0x0: {  	(tag) =	ssettag $0x1  }
0x1: {  	s0 =	rddreg [dreg:$0x0]  }
0x2: {  	s1 =	rddreg [dreg:$0x1]  }
0x3: {  	s2 =	rddreg [dreg:$0x2];
	s3 =	simm.s32 $0x0;
	s4 =	stileid.u32  }
0x4: {  	[smem:$0x7FF] =	sst s3;
	s5 =	sshll.u32 s4, $0x4  }
0x5: {  	s29 =	simm.s32 $0x1;
	_ =	strace $0x80000047;
	s5 =	sadd.s32 s0, s5  }
0x6: {  	[tilespmem:s3], [sflag:$0x1] =	stream.linear.gather [hbm4b:s5+s3], $0x80, $0x38;
	[tilespmem:$0x100] =	vst v63  }
0x7: {  	_ =	swait.ge [sflag:s29], $0x80  }
0x8: {  	[sflag:s29] =	ssyncset.done $0x0  }
0x9: {  	[sflag:s29] =	ssyncadd.s32 $0xFFFFFF80  }
0xa: {  	v0 =	vld [tilespmem:$0x0];
	_ =	sdelay $0x4  }
0xb: {  	(xrf1) =	vsort.ascd.msk.u32 $0xffff, v0, v0;
	_ =	sdelay $0xd  }
0xc: {  	s1 =	sadd.s32 $0xA00, s1;
	s6 =	sshll.u32 s4, $0x1;
	v0, _, _ =	vpop (xrf1)  }
0xd: {  	s7 =	simm.s32 $0x80;
	s6 =	sadd.s32 s1, s6;
	[tilespmem:$0x80] =	vst v0  }
0xe: {  	[hbm4b:s6+s3] =	stream.linear.scatter [tilespmem:s7], [sflag:$0x1], $0x10, $0x38;
	[tilespmem:$0x100] =	vst v63  }
0xf: {  	s30 =	sor.u32 $0x10, s4;
	_ =	swait.ge [sflag:s29], $0x10  }
0x10: {  	s8 =	sshll.u32 s30, $0x4;
	[sflag:s29] =	ssyncset.done $0x0  }
0x11: {  	s0 =	sadd.s32 s0, s8;
	[sflag:s29] =	ssyncadd.s32 $0xFFFFFFF0  }
0x12: {  	[tilespmem:s3], [sflag:$0x1] =	stream.linear.gather [hbm4b:s0+s3], $0x80, $0x38;
	[tilespmem:$0x100] =	vst v63  }
0x13: {  	_ =	swait.ge [sflag:s29], $0x80  }
0x14: {  	[sflag:s29] =	ssyncset.done $0x0  }
0x15: {  	[sflag:s29] =	ssyncadd.s32 $0xFFFFFF80  }
0x16: {  	v63 =	vld [tilespmem:$0x0];
	_ =	sdelay $0x4  }
0x17: {  	(xrf1) =	vsort.ascd.msk.u32 $0xffff, v63, v63;
	_ =	sdelay $0xd  }
0x18: {  	s31 =	sshll.u32 s30, $0x1;
	v0, _, _ =	vpop (xrf1)  }
0x19: {  	s0 =	sadd.s32 s1, s31;
	[tilespmem:$0x80] =	vst v0  }
0x1a: {  	[hbm4b:s0+s3] =	stream.linear.scatter [tilespmem:s7], [sflag:$0x1], $0x10, $0x38;
	[tilespmem:$0x100] =	vst v63  }
0x1b: {  	_ =	swait.ge [sflag:s29], $0x10  }
0x1c: {  	[sflag:s29] =	ssyncset.done $0x0  }
0x1d: {  	[sflag:s29] =	ssyncadd.s32 $0xFFFFFFF0  }
0x1e: {  	_ =	sfence.sel $0x180000  }
0x1f: {  	[bflag:$0x0] =	sbarrier.arrive $0xFFFF  }
0x20: {  	p0 =	sne.s32 s4, $0x0;
	_ =	strace $0x90000047  }
0x21: {  	s0 =	sadd.s32 @!p0 $0x100000, s2;
	[bflag:$0x2] =	sbarrier.arrive $0xFFFF  }
0x22: {  	[sflag:s0] =	ssyncadd.tile.s32 @!p0 $0x1;
	_ =	shalt  }
.Lfunc_end2:
_tile_overlayer_lowered:
.L_overlay_start_2:
0x23: {  	(tag) =	ssettag $0x2  }
0x24: {  	s0 =	rddreg [dreg:$0x0];
	s2 =	stileid.u32  }
0x25: {  	s1 =	rddreg [dreg:$0x1];
	p0 =	sne.s32 s2, $0x0  }
0x26: {  	s3 =	rddreg [dreg:$0x2];
	[bflag:$0x3] =	sbarrier.arrive $0xFFFF;
	s2 =	simm.s32 @!p0 $0x1C01  }
0x27: {  	[timem:s3], [sflag:s2] =	dma.local @!p0 [hbm:s0], s1  }
0x28: {  	s0 =	simm.s32 @!p0 $0x1  }
0x29: {  	_ =	swait.ge @!p0 [sflag:s0], s1  }
0x2a: {  	s1 =	ssub.s32 @!p0 $0x0, s1;
	[sflag:s0] =	ssyncset.done @!p0 $0x0  }
0x2b: {  	[sflag:s0] =	ssyncadd.s32 @!p0 s1  }
0x2c: {  	[bflag:$0x3] =	sbarrier.arrive $0xFFFF  }
0x2d: {  	_ =	shalt  }

</sc_bundles>
